<compile_context>
chip_gen: v7x
topology: tpu7x:2x2x1
jax: 0.10.2.dev20260603
libtpu: 0.0.44.dev20260713+nightly
codegen_flags: <defaults>
</compile_context>

<pallas_src>
import functools

import numpy as np
import jax
from jax import lax
import jax.numpy as jnp
from jax.experimental import pallas as pl
from jax.experimental.pallas import tpu as pltpu
from jax.experimental.pallas import tpu_sc as plsc

NUM_FRAMES = 16
TUBELET = 2
PATCH = 16
EMBED_DIMS = 768


def _sinusoid_table(n_position, embed_dims, base=10000):
    vec = np.arange(embed_dims, dtype=np.float64)
    vec = (vec - vec % 2) / embed_dims
    vec = np.power(float(base), -vec).reshape(1, -1)
    table = np.arange(n_position, dtype=np.float64).reshape(-1, 1) * vec
    table[:, 0::2] = np.sin(table[:, 0::2])
    table[:, 1::2] = np.cos(table[:, 1::2])
    return table.astype(np.float32)


def _body(x_ref, tok_ref, fr_ref):
    x = x_ref[0]
    fr_ref[0] = x

    for p0 in range(TUBELET):
        for c in range(3):
            plane = x[p0, c]
            pt = jnp.transpose(plane, (1, 0))
            v = pt.reshape(14, PATCH, 224)
            v = jnp.transpose(v, (0, 2, 1))
            v = v.reshape(14, 14, PATCH, PATCH)
            v = jnp.transpose(v, (1, 0, 2, 3))
            base = (c * TUBELET + p0) * 256
            w = v.reshape(14, 14, 256)
            tok_ref[0, :, :, base : base + 256] = w


_POS_CHUNK = 56


def _pos_broadcast(B, total_tokens, pos_table):
    mesh = plsc.VectorSubcoreMesh(core_axis_name="c", subcore_axis_name="s")

    @functools.partial(
        pl.kernel,
        mesh=mesh,
        out_type=jax.ShapeDtypeStruct((B * total_tokens, EMBED_DIMS), jnp.float32),
        scratch_types=[
            pltpu.VMEM((_POS_CHUNK, EMBED_DIMS), jnp.float32),
        ],
    )
    def pos_kernel(tab_hbm, out_hbm, buf):
        wid = lax.axis_index("s") * 2 + lax.axis_index("c")
        nchunk = total_tokens // _POS_CHUNK

        @pl.when(wid < nchunk)
        def _():
            base = wid * _POS_CHUNK
            pltpu.sync_copy(tab_hbm.at[pl.ds(base, _POS_CHUNK)], buf)
            for b in range(B):
                pltpu.sync_copy(
                    buf, out_hbm.at[pl.ds(b * total_tokens + base, _POS_CHUNK)]
                )

    return pos_kernel(pos_table)


def kernel(frames, targets):
    B, T, H, W, C = frames.shape
    t = NUM_FRAMES // TUBELET
    h = H // PATCH
    w = W // PATCH
    total_tokens = t * h * w

    pos_table = jnp.asarray(_sinusoid_table(total_tokens, EMBED_DIMS))
    xt = jnp.transpose(frames, (0, 1, 4, 2, 3))

    grid = (B, t)
    tok, fr_t = pl.pallas_call(
        _body,
        grid=grid,
        in_specs=[
            pl.BlockSpec((1, TUBELET, C, H, W), lambda b, i: (b, i, 0, 0, 0)),
        ],
        out_specs=[
            pl.BlockSpec(
                (1, h, w, C * TUBELET * PATCH * PATCH),
                lambda b, i: (b * 8 + i, 0, 0, 0),
            ),
            pl.BlockSpec((1, TUBELET, C, H, W), lambda b, i: (b, i, 0, 0, 0)),
        ],
        out_shape=[
            jax.ShapeDtypeStruct(
                (B * t, h, w, C * TUBELET * PATCH * PATCH), frames.dtype
            ),
            jax.ShapeDtypeStruct((B, T, C, H, W), frames.dtype),
        ],
    )(xt)
    tok = tok.reshape(B * total_tokens, C, TUBELET, PATCH, PATCH)

    pos_out = _pos_broadcast(B, total_tokens, pos_table)
    num_valid_tokens = jnp.full((B,), total_tokens, dtype=jnp.int32)
    token_mask = jnp.ones((B, total_tokens), dtype=bool)
    return (tok, num_valid_tokens, pos_out, token_mask, fr_t)

# --- scband reference (transcript-rebuilt; emitter-appended) ---
"""Pipeline reference for scband-tokenizer-39951785788043 (READ-ONLY COPY).

The authoritative reference and input builder live on the scoring server;
editing this copy changes nothing except your own understanding.
"""

import jax, jax.numpy as jnp
import numpy as np

NUM_FRAMES = 16
TUBELET = 2
PATCH = 16
EMBED_DIMS = 768


def get_sinusoid_encoding(n_position, embed_dims, base=10000):
    vec = np.arange(embed_dims, dtype=np.float64)
    vec = (vec - vec % 2) / embed_dims
    vec = np.power(float(base), -vec).reshape(1, -1)
    table = np.arange(n_position, dtype=np.float64).reshape(-1, 1) * vec
    table[:, 0::2] = np.sin(table[:, 0::2])
    table[:, 1::2] = np.cos(table[:, 1::2])
    return jnp.asarray(table.astype(np.float32))[None]


def setup_inputs(seed: int = 0):
    key = jax.random.key(seed)
    k1, k2 = jax.random.split(key)
    frames = jax.random.normal(k1, (8, 16, 224, 224, 3), dtype=jnp.float32)
    targets = jax.random.randint(k2, (8,), 0, 1000, dtype=jnp.int64) if jax.config.jax_enable_x64 else jax.random.randint(k2, (8,), 0, 1000, dtype=jnp.int32)
    return {"frames": frames, "targets": targets}


def reference(frames, targets):
    B, T, H, W, C = frames.shape
    t = NUM_FRAMES // TUBELET
    h = H // PATCH
    w = W // PATCH
    total_tokens = t * h * w
    pos_embed = get_sinusoid_encoding(total_tokens, EMBED_DIMS)[0]
    # frames.reshape(B, -1, num_frames, H, W, C).flatten(0, 1)
    frames = frames.reshape(B, -1, NUM_FRAMES, H, W, C).reshape(-1, NUM_FRAMES, H, W, C)
    B2 = frames.shape[0]
    # permute(0, 1, 4, 2, 3) -> (B, T, C, H, W)
    frames = jnp.transpose(frames, (0, 1, 4, 2, 3))
    # transpose(1, 2) -> (B, C, T, H, W)
    split_crops = jnp.transpose(frames, (0, 2, 1, 3, 4))
    # drop_policy == 'none' -> token_mask all ones
    token_mask = jnp.ones((B2, total_tokens), dtype=bool)
    # rearrange 'b c (t p0) (h p1) (w p2) -> b (t h w) c p0 p1 p2'
    sc = split_crops.reshape(B2, C, t, TUBELET, h, PATCH, w, PATCH)
    sc = jnp.transpose(sc, (0, 2, 4, 6, 1, 3, 5, 7))
    sc = sc.reshape(B2, t * h * w, C, TUBELET, PATCH, PATCH)
    # collate_tokens
    num_valid_tokens = jnp.sum(token_mask, axis=1)
    # token_mask is statically all True (drop_policy 'none'), so boolean
    # selection with it is the identity and has a fixed shape.
    padded_tokens = []
    pos_embeds = []
    for i in range(B2):
        padded_tokens.append(sc[i])
        pos_embeds.append(pos_embed)
    split_crops_out = jnp.concatenate(padded_tokens, axis=0)
    pos_out = jnp.concatenate(pos_embeds, axis=0)
    return (split_crops_out, num_valid_tokens, pos_out, token_mask, frames)

if __name__ == "__main__":
    import jax
    _d = setup_inputs()
    print(jax.jit(kernel)(*tuple(_d.values())))

</pallas_src>

<mosaic_0001>
#map = affine_map<(d0, d1) -> (0, 0)>
module attributes {stable_mosaic.version = 14 : i64} {
  func.func @pos_kernel(%arg0: i32, %arg1: i32, %arg2: memref<1568x768xf32, #tpu.memory_space<hbm>>, %arg3: memref<12544x768xf32, #tpu.memory_space<hbm>>, %arg4: memref<56x768xf32, #tpu.memory_space<vmem>>) attributes {dimension_semantics = [#tpu.dimension_semantics<core_parallel>, #tpu.dimension_semantics<subcore_parallel>], iteration_bounds = array<i64: 2, 16>, scalar_prefetch = 0 : i64, scratch_operands = 1 : i64, tpu.core_type = #tpu.core_type<sc_vector_subcore>, window_params = [{transform_indices = #map}, {transform_indices = #map}]} {
    %mul3A = arith.constant 2 : i32
    %mul3A_0 = arith.muli %arg1, %mul3A : i32
    %add3A = arith.addi %mul3A_0, %arg0 : i32
    %lt3A = arith.constant 28 : i32
    %lt3A_1 = arith.cmpi slt, %add3A, %lt3A : i32
    %convert_element_type3A = arith.extui %lt3A_1 : i1 to i32
    %cond3A = arith.constant 0 : i32
    %cond3A_2 = arith.cmpi ne, %convert_element_type3A, %cond3A : i32
    scf.if %cond3A_2 {
      %mul3A_3 = arith.constant 56 : i32
      %mul3A_4 = arith.muli %add3A, %mul3A_3 : i32
      "tpu.region"() ({
        %run_scoped3A = tpu.sem_alloc : memref<!tpu.dma_semaphore, #tpu.memory_space<semaphore_mem>>
        %dma_start3A = arith.constant 0 : i32
        %dma_start3A_21 = tpu.memref_slice %arg2[%mul3A_4, %dma_start3A] : memref<1568x768xf32, #tpu.memory_space<hbm>> -> memref<56x768xf32, #tpu.memory_space<hbm>>
        %dma_start3A_22 = arith.constant 0 : i32
        %dma_start3A_23 = tpu.memref_slice %arg2[%mul3A_4, %dma_start3A_22] : memref<1568x768xf32, #tpu.memory_space<hbm>> -> memref<56x768xf32, #tpu.memory_space<hbm>>
        tpu.enqueue_dma source(%dma_start3A_23 : memref<56x768xf32, #tpu.memory_space<hbm>>) target(%arg4 : memref<56x768xf32, #tpu.memory_space<vmem>>) target_semaphore(%run_scoped3A : memref<!tpu.dma_semaphore, #tpu.memory_space<semaphore_mem>>)
        %dma_wait3A = arith.constant 0 : i32
        %dma_wait3A_24 = tpu.memref_slice %arg2[%mul3A_4, %dma_wait3A] : memref<1568x768xf32, #tpu.memory_space<hbm>> -> memref<56x768xf32, #tpu.memory_space<hbm>>
        %dma_wait3A_25 = arith.constant 0 : i32
        %dma_wait3A_26 = tpu.memref_slice %arg2[%mul3A_4, %dma_wait3A_25] : memref<1568x768xf32, #tpu.memory_space<hbm>> -> memref<56x768xf32, #tpu.memory_space<hbm>>
        tpu.wait_dma2 semaphore(%run_scoped3A : memref<!tpu.dma_semaphore, #tpu.memory_space<semaphore_mem>>) src(%dma_wait3A_26 : memref<56x768xf32, #tpu.memory_space<hbm>>) dst(%arg4 : memref<56x768xf32, #tpu.memory_space<vmem>>)
        tpu.yield
      }) : () -> ()
      %add3A_5 = arith.constant 0 : i32
      %add3A_6 = arith.addi %add3A_5, %mul3A_4 : i32
      "tpu.region"() ({
        %run_scoped3A = tpu.sem_alloc : memref<!tpu.dma_semaphore, #tpu.memory_space<semaphore_mem>>
        %dma_start3A = arith.constant 0 : i32
        %dma_start3A_21 = tpu.memref_slice %arg3[%add3A_6, %dma_start3A] : memref<12544x768xf32, #tpu.memory_space<hbm>> -> memref<56x768xf32, #tpu.memory_space<hbm>>
        %dma_start3A_22 = arith.constant 0 : i32
        %dma_start3A_23 = tpu.memref_slice %arg3[%add3A_6, %dma_start3A_22] : memref<12544x768xf32, #tpu.memory_space<hbm>> -> memref<56x768xf32, #tpu.memory_space<hbm>>
        tpu.enqueue_dma source(%arg4 : memref<56x768xf32, #tpu.memory_space<vmem>>) target(%dma_start3A_23 : memref<56x768xf32, #tpu.memory_space<hbm>>) target_semaphore(%run_scoped3A : memref<!tpu.dma_semaphore, #tpu.memory_space<semaphore_mem>>)
        %dma_wait3A = arith.constant 0 : i32
        %dma_wait3A_24 = tpu.memref_slice %arg3[%add3A_6, %dma_wait3A] : memref<12544x768xf32, #tpu.memory_space<hbm>> -> memref<56x768xf32, #tpu.memory_space<hbm>>
        %dma_wait3A_25 = arith.constant 0 : i32
        %dma_wait3A_26 = tpu.memref_slice %arg3[%add3A_6, %dma_wait3A_25] : memref<12544x768xf32, #tpu.memory_space<hbm>> -> memref<56x768xf32, #tpu.memory_space<hbm>>
        tpu.wait_dma2 semaphore(%run_scoped3A : memref<!tpu.dma_semaphore, #tpu.memory_space<semaphore_mem>>) src(%arg4 : memref<56x768xf32, #tpu.memory_space<vmem>>) dst(%dma_wait3A_26 : memref<56x768xf32, #tpu.memory_space<hbm>>)
        tpu.yield
      }) : () -> ()
      %add3A_7 = arith.constant 1568 : i32
      %add3A_8 = arith.addi %add3A_7, %mul3A_4 : i32
      "tpu.region"() ({
        %run_scoped3A = tpu.sem_alloc : memref<!tpu.dma_semaphore, #tpu.memory_space<semaphore_mem>>
        %dma_start3A = arith.constant 0 : i32
        %dma_start3A_21 = tpu.memref_slice %arg3[%add3A_8, %dma_start3A] : memref<12544x768xf32, #tpu.memory_space<hbm>> -> memref<56x768xf32, #tpu.memory_space<hbm>>
        %dma_start3A_22 = arith.constant 0 : i32
        %dma_start3A_23 = tpu.memref_slice %arg3[%add3A_8, %dma_start3A_22] : memref<12544x768xf32, #tpu.memory_space<hbm>> -> memref<56x768xf32, #tpu.memory_space<hbm>>
        tpu.enqueue_dma source(%arg4 : memref<56x768xf32, #tpu.memory_space<vmem>>) target(%dma_start3A_23 : memref<56x768xf32, #tpu.memory_space<hbm>>) target_semaphore(%run_scoped3A : memref<!tpu.dma_semaphore, #tpu.memory_space<semaphore_mem>>)
        %dma_wait3A = arith.constant 0 : i32
        %dma_wait3A_24 = tpu.memref_slice %arg3[%add3A_8, %dma_wait3A] : memref<12544x768xf32, #tpu.memory_space<hbm>> -> memref<56x768xf32, #tpu.memory_space<hbm>>
        %dma_wait3A_25 = arith.constant 0 : i32
        %dma_wait3A_26 = tpu.memref_slice %arg3[%add3A_8, %dma_wait3A_25] : memref<12544x768xf32, #tpu.memory_space<hbm>> -> memref<56x768xf32, #tpu.memory_space<hbm>>
        tpu.wait_dma2 semaphore(%run_scoped3A : memref<!tpu.dma_semaphore, #tpu.memory_space<semaphore_mem>>) src(%arg4 : memref<56x768xf32, #tpu.memory_space<vmem>>) dst(%dma_wait3A_26 : memref<56x768xf32, #tpu.memory_space<hbm>>)
        tpu.yield
      }) : () -> ()
      %add3A_9 = arith.constant 3136 : i32
      %add3A_10 = arith.addi %add3A_9, %mul3A_4 : i32
      "tpu.region"() ({
        %run_scoped3A = tpu.sem_alloc : memref<!tpu.dma_semaphore, #tpu.memory_space<semaphore_mem>>
        %dma_start3A = arith.constant 0 : i32
        %dma_start3A_21 = tpu.memref_slice %arg3[%add3A_10, %dma_start3A] : memref<12544x768xf32, #tpu.memory_space<hbm>> -> memref<56x768xf32, #tpu.memory_space<hbm>>
        %dma_start3A_22 = arith.constant 0 : i32
        %dma_start3A_23 = tpu.memref_slice %arg3[%add3A_10, %dma_start3A_22] : memref<12544x768xf32, #tpu.memory_space<hbm>> -> memref<56x768xf32, #tpu.memory_space<hbm>>
        tpu.enqueue_dma source(%arg4 : memref<56x768xf32, #tpu.memory_space<vmem>>) target(%dma_start3A_23 : memref<56x768xf32, #tpu.memory_space<hbm>>) target_semaphore(%run_scoped3A : memref<!tpu.dma_semaphore, #tpu.memory_space<semaphore_mem>>)
        %dma_wait3A = arith.constant 0 : i32
        %dma_wait3A_24 = tpu.memref_slice %arg3[%add3A_10, %dma_wait3A] : memref<12544x768xf32, #tpu.memory_space<hbm>> -> memref<56x768xf32, #tpu.memory_space<hbm>>
        %dma_wait3A_25 = arith.constant 0 : i32
        %dma_wait3A_26 = tpu.memref_slice %arg3[%add3A_10, %dma_wait3A_25] : memref<12544x768xf32, #tpu.memory_space<hbm>> -> memref<56x768xf32, #tpu.memory_space<hbm>>
        tpu.wait_dma2 semaphore(%run_scoped3A : memref<!tpu.dma_semaphore, #tpu.memory_space<semaphore_mem>>) src(%arg4 : memref<56x768xf32, #tpu.memory_space<vmem>>) dst(%dma_wait3A_26 : memref<56x768xf32, #tpu.memory_space<hbm>>)
        tpu.yield
      }) : () -> ()
      %add3A_11 = arith.constant 4704 : i32
      %add3A_12 = arith.addi %add3A_11, %mul3A_4 : i32
      "tpu.region"() ({
        %run_scoped3A = tpu.sem_alloc : memref<!tpu.dma_semaphore, #tpu.memory_space<semaphore_mem>>
        %dma_start3A = arith.constant 0 : i32
        %dma_start3A_21 = tpu.memref_slice %arg3[%add3A_12, %dma_start3A] : memref<12544x768xf32, #tpu.memory_space<hbm>> -> memref<56x768xf32, #tpu.memory_space<hbm>>
        %dma_start3A_22 = arith.constant 0 : i32
        %dma_start3A_23 = tpu.memref_slice %arg3[%add3A_12, %dma_start3A_22] : memref<12544x768xf32, #tpu.memory_space<hbm>> -> memref<56x768xf32, #tpu.memory_space<hbm>>
        tpu.enqueue_dma source(%arg4 : memref<56x768xf32, #tpu.memory_space<vmem>>) target(%dma_start3A_23 : memref<56x768xf32, #tpu.memory_space<hbm>>) target_semaphore(%run_scoped3A : memref<!tpu.dma_semaphore, #tpu.memory_space<semaphore_mem>>)
        %dma_wait3A = arith.constant 0 : i32
        %dma_wait3A_24 = tpu.memref_slice %arg3[%add3A_12, %dma_wait3A] : memref<12544x768xf32, #tpu.memory_space<hbm>> -> memref<56x768xf32, #tpu.memory_space<hbm>>
        %dma_wait3A_25 = arith.constant 0 : i32
        %dma_wait3A_26 = tpu.memref_slice %arg3[%add3A_12, %dma_wait3A_25] : memref<12544x768xf32, #tpu.memory_space<hbm>> -> memref<56x768xf32, #tpu.memory_space<hbm>>
        tpu.wait_dma2 semaphore(%run_scoped3A : memref<!tpu.dma_semaphore, #tpu.memory_space<semaphore_mem>>) src(%arg4 : memref<56x768xf32, #tpu.memory_space<vmem>>) dst(%dma_wait3A_26 : memref<56x768xf32, #tpu.memory_space<hbm>>)
        tpu.yield
      }) : () -> ()
      %add3A_13 = arith.constant 6272 : i32
      %add3A_14 = arith.addi %add3A_13, %mul3A_4 : i32
      "tpu.region"() ({
        %run_scoped3A = tpu.sem_alloc : memref<!tpu.dma_semaphore, #tpu.memory_space<semaphore_mem>>
        %dma_start3A = arith.constant 0 : i32
        %dma_start3A_21 = tpu.memref_slice %arg3[%add3A_14, %dma_start3A] : memref<12544x768xf32, #tpu.memory_space<hbm>> -> memref<56x768xf32, #tpu.memory_space<hbm>>
        %dma_start3A_22 = arith.constant 0 : i32
        %dma_start3A_23 = tpu.memref_slice %arg3[%add3A_14, %dma_start3A_22] : memref<12544x768xf32, #tpu.memory_space<hbm>> -> memref<56x768xf32, #tpu.memory_space<hbm>>
        tpu.enqueue_dma source(%arg4 : memref<56x768xf32, #tpu.memory_space<vmem>>) target(%dma_start3A_23 : memref<56x768xf32, #tpu.memory_space<hbm>>) target_semaphore(%run_scoped3A : memref<!tpu.dma_semaphore, #tpu.memory_space<semaphore_mem>>)
        %dma_wait3A = arith.constant 0 : i32
        %dma_wait3A_24 = tpu.memref_slice %arg3[%add3A_14, %dma_wait3A] : memref<12544x768xf32, #tpu.memory_space<hbm>> -> memref<56x768xf32, #tpu.memory_space<hbm>>
        %dma_wait3A_25 = arith.constant 0 : i32
        %dma_wait3A_26 = tpu.memref_slice %arg3[%add3A_14, %dma_wait3A_25] : memref<12544x768xf32, #tpu.memory_space<hbm>> -> memref<56x768xf32, #tpu.memory_space<hbm>>
        tpu.wait_dma2 semaphore(%run_scoped3A : memref<!tpu.dma_semaphore, #tpu.memory_space<semaphore_mem>>) src(%arg4 : memref<56x768xf32, #tpu.memory_space<vmem>>) dst(%dma_wait3A_26 : memref<56x768xf32, #tpu.memory_space<hbm>>)
        tpu.yield
      }) : () -> ()
      %add3A_15 = arith.constant 7840 : i32
      %add3A_16 = arith.addi %add3A_15, %mul3A_4 : i32
      "tpu.region"() ({
        %run_scoped3A = tpu.sem_alloc : memref<!tpu.dma_semaphore, #tpu.memory_space<semaphore_mem>>
        %dma_start3A = arith.constant 0 : i32
        %dma_start3A_21 = tpu.memref_slice %arg3[%add3A_16, %dma_start3A] : memref<12544x768xf32, #tpu.memory_space<hbm>> -> memref<56x768xf32, #tpu.memory_space<hbm>>
        %dma_start3A_22 = arith.constant 0 : i32
        %dma_start3A_23 = tpu.memref_slice %arg3[%add3A_16, %dma_start3A_22] : memref<12544x768xf32, #tpu.memory_space<hbm>> -> memref<56x768xf32, #tpu.memory_space<hbm>>
        tpu.enqueue_dma source(%arg4 : memref<56x768xf32, #tpu.memory_space<vmem>>) target(%dma_start3A_23 : memref<56x768xf32, #tpu.memory_space<hbm>>) target_semaphore(%run_scoped3A : memref<!tpu.dma_semaphore, #tpu.memory_space<semaphore_mem>>)
        %dma_wait3A = arith.constant 0 : i32
        %dma_wait3A_24 = tpu.memref_slice %arg3[%add3A_16, %dma_wait3A] : memref<12544x768xf32, #tpu.memory_space<hbm>> -> memref<56x768xf32, #tpu.memory_space<hbm>>
        %dma_wait3A_25 = arith.constant 0 : i32
        %dma_wait3A_26 = tpu.memref_slice %arg3[%add3A_16, %dma_wait3A_25] : memref<12544x768xf32, #tpu.memory_space<hbm>> -> memref<56x768xf32, #tpu.memory_space<hbm>>
        tpu.wait_dma2 semaphore(%run_scoped3A : memref<!tpu.dma_semaphore, #tpu.memory_space<semaphore_mem>>) src(%arg4 : memref<56x768xf32, #tpu.memory_space<vmem>>) dst(%dma_wait3A_26 : memref<56x768xf32, #tpu.memory_space<hbm>>)
        tpu.yield
      }) : () -> ()
      %add3A_17 = arith.constant 9408 : i32
      %add3A_18 = arith.addi %add3A_17, %mul3A_4 : i32
      "tpu.region"() ({
        %run_scoped3A = tpu.sem_alloc : memref<!tpu.dma_semaphore, #tpu.memory_space<semaphore_mem>>
        %dma_start3A = arith.constant 0 : i32
        %dma_start3A_21 = tpu.memref_slice %arg3[%add3A_18, %dma_start3A] : memref<12544x768xf32, #tpu.memory_space<hbm>> -> memref<56x768xf32, #tpu.memory_space<hbm>>
        %dma_start3A_22 = arith.constant 0 : i32
        %dma_start3A_23 = tpu.memref_slice %arg3[%add3A_18, %dma_start3A_22] : memref<12544x768xf32, #tpu.memory_space<hbm>> -> memref<56x768xf32, #tpu.memory_space<hbm>>
        tpu.enqueue_dma source(%arg4 : memref<56x768xf32, #tpu.memory_space<vmem>>) target(%dma_start3A_23 : memref<56x768xf32, #tpu.memory_space<hbm>>) target_semaphore(%run_scoped3A : memref<!tpu.dma_semaphore, #tpu.memory_space<semaphore_mem>>)
        %dma_wait3A = arith.constant 0 : i32
        %dma_wait3A_24 = tpu.memref_slice %arg3[%add3A_18, %dma_wait3A] : memref<12544x768xf32, #tpu.memory_space<hbm>> -> memref<56x768xf32, #tpu.memory_space<hbm>>
        %dma_wait3A_25 = arith.constant 0 : i32
        %dma_wait3A_26 = tpu.memref_slice %arg3[%add3A_18, %dma_wait3A_25] : memref<12544x768xf32, #tpu.memory_space<hbm>> -> memref<56x768xf32, #tpu.memory_space<hbm>>
        tpu.wait_dma2 semaphore(%run_scoped3A : memref<!tpu.dma_semaphore, #tpu.memory_space<semaphore_mem>>) src(%arg4 : memref<56x768xf32, #tpu.memory_space<vmem>>) dst(%dma_wait3A_26 : memref<56x768xf32, #tpu.memory_space<hbm>>)
        tpu.yield
      }) : () -> ()
      %add3A_19 = arith.constant 10976 : i32
      %add3A_20 = arith.addi %add3A_19, %mul3A_4 : i32
      "tpu.region"() ({
        %run_scoped3A = tpu.sem_alloc : memref<!tpu.dma_semaphore, #tpu.memory_space<semaphore_mem>>
        %dma_start3A = arith.constant 0 : i32
        %dma_start3A_21 = tpu.memref_slice %arg3[%add3A_20, %dma_start3A] : memref<12544x768xf32, #tpu.memory_space<hbm>> -> memref<56x768xf32, #tpu.memory_space<hbm>>
        %dma_start3A_22 = arith.constant 0 : i32
        %dma_start3A_23 = tpu.memref_slice %arg3[%add3A_20, %dma_start3A_22] : memref<12544x768xf32, #tpu.memory_space<hbm>> -> memref<56x768xf32, #tpu.memory_space<hbm>>
        tpu.enqueue_dma source(%arg4 : memref<56x768xf32, #tpu.memory_space<vmem>>) target(%dma_start3A_23 : memref<56x768xf32, #tpu.memory_space<hbm>>) target_semaphore(%run_scoped3A : memref<!tpu.dma_semaphore, #tpu.memory_space<semaphore_mem>>)
        %dma_wait3A = arith.constant 0 : i32
        %dma_wait3A_24 = tpu.memref_slice %arg3[%add3A_20, %dma_wait3A] : memref<12544x768xf32, #tpu.memory_space<hbm>> -> memref<56x768xf32, #tpu.memory_space<hbm>>
        %dma_wait3A_25 = arith.constant 0 : i32
        %dma_wait3A_26 = tpu.memref_slice %arg3[%add3A_20, %dma_wait3A_25] : memref<12544x768xf32, #tpu.memory_space<hbm>> -> memref<56x768xf32, #tpu.memory_space<hbm>>
        tpu.wait_dma2 semaphore(%run_scoped3A : memref<!tpu.dma_semaphore, #tpu.memory_space<semaphore_mem>>) src(%arg4 : memref<56x768xf32, #tpu.memory_space<vmem>>) dst(%dma_wait3A_26 : memref<56x768xf32, #tpu.memory_space<hbm>>)
        tpu.yield
      }) : () -> ()
    } else {
    }
    return
  }
}

module attributes {stable_mosaic.version = 14 : i64} {
  func.func @_body(%arg0: i32, %arg1: i32, %arg2: memref<1x2x3x224x224xf32, #tpu.memory_space<vmem>>, %arg3: memref<1x14x14x1536xf32, #tpu.memory_space<vmem>>, %arg4: memref<1x2x3x224x224xf32, #tpu.memory_space<vmem>>) attributes {dimension_semantics = [#tpu.dimension_semantics<arbitrary>, #tpu.dimension_semantics<arbitrary>], iteration_bounds = array<i64: 8, 8>, scalar_prefetch = 0 : i64, scratch_operands = 0 : i64, tpu.core_type = #tpu.core_type<tc>, window_params = [{transform_indices = @transform_0, window_bounds = array<i64: 1, 2, 3, 224, 224>}, {transform_indices = @transform_1, window_bounds = array<i64: 1, 14, 14, 1536>}, {transform_indices = @transform_2, window_bounds = array<i64: 1, 2, 3, 224, 224>}]} {
    %get3A = arith.constant 0 : index
    %get3A_0 = arith.constant 0 : index
    %get3A_1 = arith.constant 0 : index
    %get3A_2 = arith.constant 0 : index
    %get3A_3 = arith.constant 0 : index
    %get3A_4 = vector.load %arg2[%get3A, %get3A_0, %get3A_1, %get3A_2, %get3A_3] : memref<1x2x3x224x224xf32, #tpu.memory_space<vmem>>, vector<1x2x3x224x224xf32>
    %get3A_5 = vector.shape_cast %get3A_4 : vector<1x2x3x224x224xf32> to vector<2x3x224x224xf32>
    %swap3A = arith.constant 0 : index
    %swap3A_6 = arith.constant 0 : index
    %swap3A_7 = arith.constant 0 : index
    %swap3A_8 = arith.constant 0 : index
    %swap3A_9 = arith.constant 0 : index
    %swap3A_10 = vector.load %arg4[%swap3A, %swap3A_6, %swap3A_7, %swap3A_8, %swap3A_9] : memref<1x2x3x224x224xf32, #tpu.memory_space<vmem>>, vector<1x2x3x224x224xf32>
    %swap3A_11 = vector.shape_cast %swap3A_10 : vector<1x2x3x224x224xf32> to vector<2x3x224x224xf32>
    %swap3A_12 = vector.shape_cast %get3A_5 : vector<2x3x224x224xf32> to vector<1x2x3x224x224xf32>
    tpu.vector_store %arg4[%swap3A, %swap3A_6, %swap3A_7, %swap3A_8, %swap3A_9], %swap3A_12 {strides = array<i32>} : memref<1x2x3x224x224xf32, #tpu.memory_space<vmem>>, vector<1x2x3x224x224xf32>,
    %slice3A = vector.extract_strided_slice %get3A_5 {offsets = [0, 0, 0, 0], sizes = [1, 1, 224, 224], strides = [1, 1, 1, 1]} : vector<2x3x224x224xf32> to vector<1x1x224x224xf32>
    %squeeze3A = vector.shape_cast %slice3A : vector<1x1x224x224xf32> to vector<224x224xf32>
    %transpose3A = tpu.transpose %squeeze3A, [1, 0] : vector<224x224xf32> -> vector<224x224xf32>
    %reshape3A = vector.shape_cast %transpose3A : vector<224x224xf32> to vector<14x16x224xf32>
    %transpose3A_13 = tpu.transpose %reshape3A, [0, 2, 1] : vector<14x16x224xf32> -> vector<14x224x16xf32>
    %reshape3A_14 = vector.shape_cast %transpose3A_13 : vector<14x224x16xf32> to vector<14x14x16x16xf32>
    %transpose3A_15 = tpu.transpose %reshape3A_14, [1, 0, 2, 3] : vector<14x14x16x16xf32> -> vector<14x14x16x16xf32>
    %reshape3A_16 = vector.shape_cast %transpose3A_15 : vector<14x14x16x16xf32> to vector<14x14x256xf32>
    %swap3A_17 = arith.constant 0 : index
    %swap3A_18 = arith.constant 0 : index
    %swap3A_19 = arith.constant 0 : index
    %swap3A_20 = arith.constant 0 : index
    %swap3A_21 = vector.load %arg3[%swap3A_17, %swap3A_18, %swap3A_19, %swap3A_20] : memref<1x14x14x1536xf32, #tpu.memory_space<vmem>>, vector<1x14x14x256xf32>
    %swap3A_22 = vector.shape_cast %swap3A_21 : vector<1x14x14x256xf32> to vector<14x14x256xf32>
    %swap3A_23 = vector.shape_cast %reshape3A_16 : vector<14x14x256xf32> to vector<1x14x14x256xf32>
    tpu.vector_store %arg3[%swap3A_17, %swap3A_18, %swap3A_19, %swap3A_20], %swap3A_23 {strides = array<i32>} : memref<1x14x14x1536xf32, #tpu.memory_space<vmem>>, vector<1x14x14x256xf32>,
    %slice3A_24 = vector.extract_strided_slice %get3A_5 {offsets = [0, 1, 0, 0], sizes = [1, 1, 224, 224], strides = [1, 1, 1, 1]} : vector<2x3x224x224xf32> to vector<1x1x224x224xf32>
    %squeeze3A_25 = vector.shape_cast %slice3A_24 : vector<1x1x224x224xf32> to vector<224x224xf32>
    %transpose3A_26 = tpu.transpose %squeeze3A_25, [1, 0] : vector<224x224xf32> -> vector<224x224xf32>
    %reshape3A_27 = vector.shape_cast %transpose3A_26 : vector<224x224xf32> to vector<14x16x224xf32>
    %transpose3A_28 = tpu.transpose %reshape3A_27, [0, 2, 1] : vector<14x16x224xf32> -> vector<14x224x16xf32>
    %reshape3A_29 = vector.shape_cast %transpose3A_28 : vector<14x224x16xf32> to vector<14x14x16x16xf32>
    %transpose3A_30 = tpu.transpose %reshape3A_29, [1, 0, 2, 3] : vector<14x14x16x16xf32> -> vector<14x14x16x16xf32>
    %reshape3A_31 = vector.shape_cast %transpose3A_30 : vector<14x14x16x16xf32> to vector<14x14x256xf32>
    %swap3A_32 = arith.constant 0 : index
    %swap3A_33 = arith.constant 0 : index
    %swap3A_34 = arith.constant 0 : index
    %swap3A_35 = arith.constant 512 : index
    %swap3A_36 = vector.load %arg3[%swap3A_32, %swap3A_33, %swap3A_34, %swap3A_35] : memref<1x14x14x1536xf32, #tpu.memory_space<vmem>>, vector<1x14x14x256xf32>
    %swap3A_37 = vector.shape_cast %swap3A_36 : vector<1x14x14x256xf32> to vector<14x14x256xf32>
    %swap3A_38 = vector.shape_cast %reshape3A_31 : vector<14x14x256xf32> to vector<1x14x14x256xf32>
    tpu.vector_store %arg3[%swap3A_32, %swap3A_33, %swap3A_34, %swap3A_35], %swap3A_38 {strides = array<i32>} : memref<1x14x14x1536xf32, #tpu.memory_space<vmem>>, vector<1x14x14x256xf32>,
    %slice3A_39 = vector.extract_strided_slice %get3A_5 {offsets = [0, 2, 0, 0], sizes = [1, 1, 224, 224], strides = [1, 1, 1, 1]} : vector<2x3x224x224xf32> to vector<1x1x224x224xf32>
    %squeeze3A_40 = vector.shape_cast %slice3A_39 : vector<1x1x224x224xf32> to vector<224x224xf32>
    %transpose3A_41 = tpu.transpose %squeeze3A_40, [1, 0] : vector<224x224xf32> -> vector<224x224xf32>
    %reshape3A_42 = vector.shape_cast %transpose3A_41 : vector<224x224xf32> to vector<14x16x224xf32>
    %transpose3A_43 = tpu.transpose %reshape3A_42, [0, 2, 1] : vector<14x16x224xf32> -> vector<14x224x16xf32>
    %reshape3A_44 = vector.shape_cast %transpose3A_43 : vector<14x224x16xf32> to vector<14x14x16x16xf32>
    %transpose3A_45 = tpu.transpose %reshape3A_44, [1, 0, 2, 3] : vector<14x14x16x16xf32> -> vector<14x14x16x16xf32>
    %reshape3A_46 = vector.shape_cast %transpose3A_45 : vector<14x14x16x16xf32> to vector<14x14x256xf32>
    %swap3A_47 = arith.constant 0 : index
    %swap3A_48 = arith.constant 0 : index
    %swap3A_49 = arith.constant 0 : index
    %swap3A_50 = arith.constant 1024 : index
    %swap3A_51 = vector.load %arg3[%swap3A_47, %swap3A_48, %swap3A_49, %swap3A_50] : memref<1x14x14x1536xf32, #tpu.memory_space<vmem>>, vector<1x14x14x256xf32>
    %swap3A_52 = vector.shape_cast %swap3A_51 : vector<1x14x14x256xf32> to vector<14x14x256xf32>
    %swap3A_53 = vector.shape_cast %reshape3A_46 : vector<14x14x256xf32> to vector<1x14x14x256xf32>
    tpu.vector_store %arg3[%swap3A_47, %swap3A_48, %swap3A_49, %swap3A_50], %swap3A_53 {strides = array<i32>} : memref<1x14x14x1536xf32, #tpu.memory_space<vmem>>, vector<1x14x14x256xf32>,
    %slice3A_54 = vector.extract_strided_slice %get3A_5 {offsets = [1, 0, 0, 0], sizes = [1, 1, 224, 224], strides = [1, 1, 1, 1]} : vector<2x3x224x224xf32> to vector<1x1x224x224xf32>
    %squeeze3A_55 = vector.shape_cast %slice3A_54 : vector<1x1x224x224xf32> to vector<224x224xf32>
    %transpose3A_56 = tpu.transpose %squeeze3A_55, [1, 0] : vector<224x224xf32> -> vector<224x224xf32>
    %reshape3A_57 = vector.shape_cast %transpose3A_56 : vector<224x224xf32> to vector<14x16x224xf32>
    %transpose3A_58 = tpu.transpose %reshape3A_57, [0, 2, 1] : vector<14x16x224xf32> -> vector<14x224x16xf32>
    %reshape3A_59 = vector.shape_cast %transpose3A_58 : vector<14x224x16xf32> to vector<14x14x16x16xf32>
    %transpose3A_60 = tpu.transpose %reshape3A_59, [1, 0, 2, 3] : vector<14x14x16x16xf32> -> vector<14x14x16x16xf32>
    %reshape3A_61 = vector.shape_cast %transpose3A_60 : vector<14x14x16x16xf32> to vector<14x14x256xf32>
    %swap3A_62 = arith.constant 0 : index
    %swap3A_63 = arith.constant 0 : index
    %swap3A_64 = arith.constant 0 : index
    %swap3A_65 = arith.constant 256 : index
    %swap3A_66 = vector.load %arg3[%swap3A_62, %swap3A_63, %swap3A_64, %swap3A_65] : memref<1x14x14x1536xf32, #tpu.memory_space<vmem>>, vector<1x14x14x256xf32>
    %swap3A_67 = vector.shape_cast %swap3A_66 : vector<1x14x14x256xf32> to vector<14x14x256xf32>
    %swap3A_68 = vector.shape_cast %reshape3A_61 : vector<14x14x256xf32> to vector<1x14x14x256xf32>
    tpu.vector_store %arg3[%swap3A_62, %swap3A_63, %swap3A_64, %swap3A_65], %swap3A_68 {strides = array<i32>} : memref<1x14x14x1536xf32, #tpu.memory_space<vmem>>, vector<1x14x14x256xf32>,
    %slice3A_69 = vector.extract_strided_slice %get3A_5 {offsets = [1, 1, 0, 0], sizes = [1, 1, 224, 224], strides = [1, 1, 1, 1]} : vector<2x3x224x224xf32> to vector<1x1x224x224xf32>
    %squeeze3A_70 = vector.shape_cast %slice3A_69 : vector<1x1x224x224xf32> to vector<224x224xf32>
    %transpose3A_71 = tpu.transpose %squeeze3A_70, [1, 0] : vector<224x224xf32> -> vector<224x224xf32>
    %reshape3A_72 = vector.shape_cast %transpose3A_71 : vector<224x224xf32> to vector<14x16x224xf32>
    %transpose3A_73 = tpu.transpose %reshape3A_72, [0, 2, 1] : vector<14x16x224xf32> -> vector<14x224x16xf32>
    %reshape3A_74 = vector.shape_cast %transpose3A_73 : vector<14x224x16xf32> to vector<14x14x16x16xf32>
    %transpose3A_75 = tpu.transpose %reshape3A_74, [1, 0, 2, 3] : vector<14x14x16x16xf32> -> vector<14x14x16x16xf32>
    %reshape3A_76 = vector.shape_cast %transpose3A_75 : vector<14x14x16x16xf32> to vector<14x14x256xf32>
    %swap3A_77 = arith.constant 0 : index
    %swap3A_78 = arith.constant 0 : index
    %swap3A_79 = arith.constant 0 : index
    %swap3A_80 = arith.constant 768 : index
    %swap3A_81 = vector.load %arg3[%swap3A_77, %swap3A_78, %swap3A_79, %swap3A_80] : memref<1x14x14x1536xf32, #tpu.memory_space<vmem>>, vector<1x14x14x256xf32>
    %swap3A_82 = vector.shape_cast %swap3A_81 : vector<1x14x14x256xf32> to vector<14x14x256xf32>
    %swap3A_83 = vector.shape_cast %reshape3A_76 : vector<14x14x256xf32> to vector<1x14x14x256xf32>
    tpu.vector_store %arg3[%swap3A_77, %swap3A_78, %swap3A_79, %swap3A_80], %swap3A_83 {strides = array<i32>} : memref<1x14x14x1536xf32, #tpu.memory_space<vmem>>, vector<1x14x14x256xf32>,
    %slice3A_84 = vector.extract_strided_slice %get3A_5 {offsets = [1, 2, 0, 0], sizes = [1, 1, 224, 224], strides = [1, 1, 1, 1]} : vector<2x3x224x224xf32> to vector<1x1x224x224xf32>
    %squeeze3A_85 = vector.shape_cast %slice3A_84 : vector<1x1x224x224xf32> to vector<224x224xf32>
    %transpose3A_86 = tpu.transpose %squeeze3A_85, [1, 0] : vector<224x224xf32> -> vector<224x224xf32>
    %reshape3A_87 = vector.shape_cast %transpose3A_86 : vector<224x224xf32> to vector<14x16x224xf32>
    %transpose3A_88 = tpu.transpose %reshape3A_87, [0, 2, 1] : vector<14x16x224xf32> -> vector<14x224x16xf32>
    %reshape3A_89 = vector.shape_cast %transpose3A_88 : vector<14x224x16xf32> to vector<14x14x16x16xf32>
    %transpose3A_90 = tpu.transpose %reshape3A_89, [1, 0, 2, 3] : vector<14x14x16x16xf32> -> vector<14x14x16x16xf32>
    %reshape3A_91 = vector.shape_cast %transpose3A_90 : vector<14x14x16x16xf32> to vector<14x14x256xf32>
    %swap3A_92 = arith.constant 0 : index
    %swap3A_93 = arith.constant 0 : index
    %swap3A_94 = arith.constant 0 : index
    %swap3A_95 = arith.constant 1280 : index
    %swap3A_96 = vector.load %arg3[%swap3A_92, %swap3A_93, %swap3A_94, %swap3A_95] : memref<1x14x14x1536xf32, #tpu.memory_space<vmem>>, vector<1x14x14x256xf32>
    %swap3A_97 = vector.shape_cast %swap3A_96 : vector<1x14x14x256xf32> to vector<14x14x256xf32>
    %swap3A_98 = vector.shape_cast %reshape3A_91 : vector<14x14x256xf32> to vector<1x14x14x256xf32>
    tpu.vector_store %arg3[%swap3A_92, %swap3A_93, %swap3A_94, %swap3A_95], %swap3A_98 {strides = array<i32>} : memref<1x14x14x1536xf32, #tpu.memory_space<vmem>>, vector<1x14x14x256xf32>,
    return
  }
  func.func @transform_0(%arg0: i32, %arg1: i32) -> (i32, i32, i32, i32, i32) {
    %c0_i32 = arith.constant 0 : i32
    %c0_i32_0 = arith.constant 0 : i32
    %c0_i32_1 = arith.constant 0 : i32
    %c0_i32_2 = arith.constant 0 : i32
    return %arg0, %arg1, %c0_i32, %c0_i32_0, %c0_i32_1 : i32, i32, i32, i32, i32
  }
  func.func @transform_1(%arg0: i32, %arg1: i32) -> (i32, i32, i32, i32) {
    %mul3A = arith.constant 8 : i32
    %mul3A_0 = arith.muli %arg0, %mul3A : i32
    %add3A = arith.addi %mul3A_0, %arg1 : i32
    %c0_i32 = arith.constant 0 : i32
    %c0_i32_1 = arith.constant 0 : i32
    %c0_i32_2 = arith.constant 0 : i32
    %c0_i32_3 = arith.constant 0 : i32
    return %add3A, %c0_i32, %c0_i32_1, %c0_i32_2 : i32, i32, i32, i32
  }
  func.func @transform_2(%arg0: i32, %arg1: i32) -> (i32, i32, i32, i32, i32) {
    %c0_i32 = arith.constant 0 : i32
    %c0_i32_0 = arith.constant 0 : i32
    %c0_i32_1 = arith.constant 0 : i32
    %c0_i32_2 = arith.constant 0 : i32
    return %arg0, %arg1, %c0_i32, %c0_i32_0, %c0_i32_1 : i32, i32, i32, i32, i32
  }
}

</mosaic_0001>

<sc_bundles>
// kernel: kernel.4.cloned.1.call-start
scs
__scs_entry_jumppad:
0x0: {  	(pc) =	sbr.rel $0x88, $3  }
0x1: {  	(tag) =	ssettag $0x0;
	lr =	simm.s32 $0x1  }
0x2: {  	[smem:$0x3FA0] =	sst lr;
	_ =	strace $0xD0000000  }
0x3: {  	_ = 	snop  }
0x4: {  	_ = 	snop  }
0x5: {  	_ = 	snop  }
0x6: {  	_ = 	snop  }
0x7: {  	_ = 	snop  }
__scs_overlays_trampoline_lowered:
0x8: {  	[smem:$0x3FAF] =	sst s0  }
0x9: {  	[smem:$0x3FB0] =	sst s1  }
0xa: {  	[smem:$0x3FB1] =	sst s2  }
0xb: {  	[smem:$0x3FB2] =	sst s3  }
0xc: {  	[smem:$0x3FB3] =	sst s4  }
0xd: {  	[smem:$0x3FB4] =	sst s5  }
0xe: {  	[smem:$0x3FB5] =	sst s6  }
0xf: {  	[smem:$0x3FB6] =	sst s7  }
0x10: {  	[smem:$0x3FB7] =	sst s8  }
0x11: {  	[smem:$0x3FB8] =	sst s9;
	s0 =	simm.s32 @!p0 $0x0  }
0x12: {  	s1 =	sld [smem:$0x3F9E];
	s0 =	simm.s32 @p0 $0x1  }
0x13: {  	[smem:$0x3FB9] =	sst s0;
	s0 =	simm.s32 @!p1 $0x0  }
0x14: {  	s2 =	sld [smem:$0x3F9D];
	s0 =	simm.s32 @p1 $0x1  }
0x15: {  	[smem:$0x3FBA] =	sst s0;
	s0 =	simm.s32 @!p2 $0x0  }
0x16: {  	s3 =	sld [smem:$0x3FDB];
	s0 =	simm.s32 @p2 $0x1  }
0x17: {  	s4 =	simm.s32 $0x1BF5;
	[smem:$0x3FBC] =	sst s0  }
0x18: {  	s0 =	sld [smem:$0x3F9F];
	_ =	swait.ge [sflag:s4], $0x0  }
0x19: {  	s7 =	sld [smem:$0x3FA0]  }
0x1a: {  	s8 =	sadd.s32 $0xFFFFE003, lr  }
0x1b: {  	s9 =	sadd.s32 $0xFFFFFEF7, lr;
	s5 =	simm.s32 $0xFFFFFFFF;
	p2 =	slt.u32 s8, $0xFFFFF086  }
0x1c: {  	p1 =	slt.u32 s9, $0xF7A;
	s5 =	simm.s32 @!p2 $0x0  }
0x1d: {  	s5 =	simm.s32 @p1 $0x1;
	p0 =	seq.s32 s7, s2  }
0x1e: {  	s7 =	smul.u32 @!p0 $0xF7A, s2;
	p2 =	seq.s32 @!p0 s5, $0x0  }
0x1f: {  	s9 =	smul.u32 $0xF7A, s1;
	s8 =	simm.s32 @!p0 $0x1BF5;
	p2 =	por !p2, p0  }
0x20: {  	[sflag:s8] =	ssyncset.s32 @!p0 $0xFFFFF086;
	s6 =	sadd.s32 @!p0 s3, s7;
	s7 =	simm.s32 @!p0 $0x108  }
0x21: {  	s3 =	sadd.s32 s3, s9;
	s6 =	sadd.s32 @!p0 $0x88, s6;
	s7 =	simm.s32 @p2 $0x1082  }
0x22: {  	[simem:s7], [sflag:s8] =	dma.local @!p0 [hbm:s6], $0xF7A  }
0x23: {  	s9 =	sor.u32 $0xD0000000, s2;
	s6 =	simm.s32 $0x108;
	_ =	swait.ge @!p0 [sflag:s8], $0x0  }
0x24: {  	s3 =	sadd.s32 $0x88, s3;
	s6 =	simm.s32 @!p1 $0x1082;
	[sflag:s4] =	ssyncset.s32 $0xFFFFF086  }
0x25: {  	[simem:s6], [sflag:s4] =	dma.local [hbm:s3], $0xF7A  }
0x26: {  	[smem:$0x3FA0] =	sst s1;
	(tag) =	ssettag s2;
	_ =	strace s9  }
0x27: {  	s1 =	sld [smem:$0x3FB0]  }
0x28: {  	s2 =	sld [smem:$0x3FB1]  }
0x29: {  	s4 =	sld [smem:$0x3FB3]  }
0x2a: {  	p0 =	seq.s32 s5, $0x0;
	s5 =	sld [smem:$0x3FB4]  }
0x2b: {  	s6 =	sld [smem:$0x3FB5]  }
0x2c: {  	s7 =	sld [smem:$0x3FB6]  }
0x2d: {  	s3 =	simm.s32 $0x108;
	s8 =	sld [smem:$0x3FB7]  }
0x2e: {  	s3 =	simm.s32 @!p0 $0x1082;
	s9 =	sld [smem:$0x3FB8]  }
0x2f: {  	lr =	sadd.s32 s0, s3;
	s0 =	sld [smem:$0x3FAF]  }
0x30: {  	s3 =	sld [smem:$0x3FB2]  }
0x31: {  	[smem:$0x3FBB] =	sst s10  }
0x32: {  	s10 =	sld [smem:$0x3FB9];
	_ =	sdelay $0x3  }
0x33: {  	p0 =	seq.s32 s10, $0x1;
	s10 =	sld [smem:$0x3FBB];
	_ =	sdelay $0x3  }
0x34: {  	[smem:$0x3FBB] =	sst s10  }
0x35: {  	s10 =	sld [smem:$0x3FBA];
	_ =	sdelay $0x3  }
0x36: {  	p1 =	seq.s32 s10, $0x1;
	s10 =	sld [smem:$0x3FBB];
	_ =	sdelay $0x3  }
0x37: {  	[smem:$0x3FBB] =	sst s10  }
0x38: {  	s10 =	sld [smem:$0x3FBC]  }
0x39: {  	_ = 	snop;
	(pc) =	sbr.ind lr, $3  }
0x3a: {  	_ = 	snop  }
0x3b: {  	_ = 	snop  }
0x3c: {  	p2 =	seq.s32 s10, $0x1;
	s10 =	sld [smem:$0x3FBB]  }
0x3d: {  	_ =	shalt  }
0x3e: {  	_ =	shalt  }
0x3f: {  	_ =	shalt  }
0x40: {  	_ =	shalt  }
0x41: {  	_ =	shalt  }
0x42: {  	_ =	shalt  }
0x43: {  	_ =	shalt  }
0x44: {  	_ =	shalt  }
0x45: {  	_ =	shalt  }
0x46: {  	_ =	shalt  }
0x47: {  	_ =	shalt  }
0x48: {  	_ =	shalt  }
0x49: {  	_ =	shalt  }
0x4a: {  	_ =	shalt  }
0x4b: {  	_ =	shalt  }
0x4c: {  	_ =	shalt  }
0x4d: {  	_ =	shalt  }
0x4e: {  	_ =	shalt  }
0x4f: {  	_ =	shalt  }
0x50: {  	_ =	shalt  }
0x51: {  	_ =	shalt  }
0x52: {  	_ =	shalt  }
0x53: {  	_ =	shalt  }
0x54: {  	_ =	shalt  }
0x55: {  	_ =	shalt  }
0x56: {  	_ =	shalt  }
0x57: {  	_ =	shalt  }
0x58: {  	_ =	shalt  }
0x59: {  	_ =	shalt  }
0x5a: {  	_ =	shalt  }
0x5b: {  	_ =	shalt  }
0x5c: {  	_ =	shalt  }
0x5d: {  	_ =	shalt  }
0x5e: {  	_ =	shalt  }
0x5f: {  	_ =	shalt  }
0x60: {  	_ =	shalt  }
0x61: {  	_ =	shalt  }
0x62: {  	_ =	shalt  }
0x63: {  	_ =	shalt  }
0x64: {  	_ =	shalt  }
0x65: {  	_ =	shalt  }
0x66: {  	_ =	shalt  }
0x67: {  	_ =	shalt  }
0x68: {  	_ =	shalt  }
0x69: {  	_ =	shalt  }
0x6a: {  	_ =	shalt  }
0x6b: {  	_ =	shalt  }
0x6c: {  	_ =	shalt  }
0x6d: {  	_ =	shalt  }
0x6e: {  	_ =	shalt  }
0x6f: {  	_ =	shalt  }
0x70: {  	_ =	shalt  }
0x71: {  	_ =	shalt  }
0x72: {  	_ =	shalt  }
0x73: {  	_ =	shalt  }
0x74: {  	_ =	shalt  }
0x75: {  	_ =	shalt  }
0x76: {  	_ =	shalt  }
0x77: {  	_ =	shalt  }
0x78: {  	_ =	shalt  }
0x79: {  	_ =	shalt  }
0x7a: {  	_ =	shalt  }
0x7b: {  	_ =	shalt  }
0x7c: {  	_ =	shalt  }
0x7d: {  	_ =	shalt  }
0x7e: {  	_ =	shalt  }
0x7f: {  	_ =	shalt  }
0x80: {  	_ =	shalt  }
0x81: {  	_ =	shalt  }
0x82: {  	_ =	shalt  }
0x83: {  	_ =	shalt  }
0x84: {  	_ =	shalt  }
0x85: {  	_ =	shalt  }
0x86: {  	_ =	shalt  }
0x87: {  	_ =	shalt  }
.Lfunc_end0:
.L_simem_size_0:
called_computation.1_lowered:
.L_overlay_start_0:
0x88: {  	s2 =	sld [smem:$0x3FD9]  }
0x89: {  	s3 =	sld [smem:$0x3FFE];
	_ =	sdelay $0x1  }
0x8a: {  	s1 =	srdreg.scid  }
0x8b: {  	s0 =	sand.u32 $0x1, s1  }
0x8c: {  	s15 =	sshll.u32 s0, $0xA;
	s2 =	sadd.s32 s3, s2  }
0x8d: {  	s2 =	sadd.s32 s2, s15  }
0x8e: {  	[smem:$0x3FC7] =	sst s2  }
0x8f: {  	_ = 	snop  }
0x90: {  	s2 =	sld [smem:$0x3FD0];
	_ =	sdelay $0x2  }
0x91: {  	s16 =	simm.s32 $0xB;
	s4 =	simm.s32 $0x10  }
0x92: {  	[smem:s4], [sflag:s16] =	dma.local [hbm:s2], $0x1  }
0x93: {  	_ =	swait.eq [sflag:s16], $0x1  }
0x94: {  	[sflag:s16] =	ssyncset.done $0x0  }
0x95: {  	[sflag:s16] =	ssyncadd.s32 $0xFFFFFFFF  }
0x96: {  	s17 =	sld [smem:$0x12];
	(tm) =	ssettm $0x1  }
0x97: {  	s18 =	sld [smem:$0x3FFB];
	_ =	sdelay $0x3  }
0x98: {  	_ =	strace s18  }
0x99: {  	s2 =	sld [smem:$0x3FFC];
	_ =	sdelay $0x3  }
0x9a: {  	_ =	strace s2  }
0x9b: {  	s2 =	sld [smem:$0x3FFD];
	_ =	sdelay $0x3  }
0x9c: {  	_ =	strace s2  }
0x9d: {  	_ =	strace $0x8FFFFFFF  }
0x9e: {  	s19 =	sld [smem:$0x3FDB];
	_ =	sdelay $0x1  }
0x9f: {  	s20 =	simm.s32 $_scs_section_size  }
0xa0: {  	s5 =	simm.s32 $_size__tile_overlayer_lowered;
	s6 =	simm.s32 $_tile_overlayer_lowered  }
0xa1: {  	s7 =	simm.s32 $0x1BFF;
	s21 =	sshll.u32 s6, $0x1;
	s4 =	sadd.s32 s20, s19  }
0xa2: {  	s22 =	simm.s32 $0x0;
	s5 =	sshll.u32 s5, $0x1;
	s6 =	sadd.s32 s21, s4  }
0xa3: {  	[timem:s22], [sflag:s7] =	dma.local [hbm:s6], s5  }
0xa4: {  	_ =	swait.ge [sflag:s7], s5  }
0xa5: {  	s5 =	ssub.s32 $0x0, s5;
	[sflag:s7] =	ssyncset.done $0x0  }
0xa6: {  	[sflag:s7] =	ssyncadd.s32 s5;
	_ =	sdelay $0x1  }
0xa7: {  	s23 =	simm.s32 $0x1B8B  }
0xa8: {  	_ =	swait.ge [sflag:s23], $0x1  }
0xa9: {  	[sflag:s23] =	ssyncset.done $0x0  }
0xaa: {  	[sflag:s23] =	ssyncadd.s32 $0xFFFFFFFF  }
0xab: {  	s5 =	sld [smem:$0x0]  }
0xac: {  	s6 =	sand.u32 $0xFFFFFFFE, s1  }
0xad: {  	p0 =	sne.s32 s1, s6  }
0xae: {  	s6 =	sshll.u32 @p0 s6, $0xE  }
0xaf: {  	s6 =	sadd.s32 @p0 $0x11B8D, s6;
	s7 =	sshll.u32 @p0 s5, $0x11  }
0xb0: {  	s6 =	sor.u32 @p0 s7, s6  }
0xb1: {  	[sflag:s6] =	ssyncadd.remote.s32 @p0 $0x1;
	_ =	sdelay $0x1  }
0xb2: {  	s6 =	simm.s32 @p0 $0x1B8D  }
0xb3: {  	_ =	swait.eq @p0 [sflag:s6], $0x1  }
0xb4: {  	[sflag:s6] =	ssyncadd.s32 @p0 $0xFFFFFFFF  }
0xb5: {  	s7 =	sshll.u32 @!p0 s1, $0xE  }
0xb6: {  	s7 =	sor.u32 @!p0 $0x4000, s7;
	s6 =	simm.s32 @!p0 $0x1B8D  }
0xb7: {  	s5 =	sshll.u32 @!p0 s5, $0x11;
	s7 =	sadd.s32 @!p0 $0x11B8D, s7;
	_ =	swait.eq @!p0 [sflag:s6], $0x1  }
0xb8: {  	s5 =	sor.u32 @!p0 s5, s7;
	[sflag:s6] =	ssyncadd.s32 @!p0 $0xFFFFFFFF  }
0xb9: {  	s25 =	simm.s32 $0x1B8E;
	s24 =	sld [smem:$0x3FFE];
	[sflag:s5] =	ssyncadd.remote.s32 @!p0 $0x1  }
0xba: {  	s26 =	simm.s32 $execute0_lowered;
	[smem:$0x3FD2] =	sst s25  }
0xbb: {  	s6 =	sshll.u32 s26, $0x1;
	_ =	strace $0x80000049;
	[dreg:$0x1] =	wrdreg $0xFFFFFFFF  }
0xbc: {  	s28 =	simm.s32 $_size_execute0_lowered;
	s4 =	sadd.s32 s4, s6;
	[dreg:$0x0] =	wrdreg $0x0  }
0xbd: {  	s6 =	sshll.u32 s28, $0x1;
	[dreg:$0x2] =	wrdreg s4  }
0xbe: {  	[dreg:$0x3] =	wrdreg s6  }
0xbf: {  	[dreg:$0x4] =	wrdreg $0xC0  }
0xc0: {  	_ =	task [dreg:s22], $0x5FFFF  }
0xc1: {  	[dreg:$0x1] =	wrdreg $0xFFFFFFFF  }
0xc2: {  	[dreg:$0x0] =	wrdreg $0x60  }
0xc3: {  	[dreg:$0x2] =	wrdreg s24  }
0xc4: {  	[dreg:$0x3] =	wrdreg s17  }
0xc5: {  	[dreg:$0x4] =	wrdreg $0xA  }
0xc6: {  	_ =	task.clear_ibuf [dreg:s22], $0x5FFFF;
	_ =	strace $0x90000049  }
0xc7: {  	s29 =	simm.s32 $0xA;
	_ =	strace $0x8000004B  }
0xc8: {  	_ =	swait.ge [sflag:s29], $0x1  }
0xc9: {  	[sflag:s29] =	ssyncadd.s32 $0xFFFFFFFF  }
0xca: {  	_ =	strace $0x9000004B  }
0xcb: {  	_ =	sfence  }
0xcc: {  	s30 =	sld [smem:$0x0];
	_ =	sdelay $0x2  }
0xcd: {  	s31 =	sshll.u32 s1, $0xD;
	s1 =	sshrl.u32 s1, $0x2  }
0xce: {  	s4 =	sand.u32 $0x4000, s31;
	s1 =	sadd.s32 s1, s30  }
0xcf: {  	s0 =	sor.u32 s4, s0;
	s1 =	sshll.u32 s1, $0x11  }
0xd0: {  	s0 =	sor.u32 s1, s0  }
0xd1: {  	s0 =	sadd.s32 $0x8F2B, s0  }
0xd2: {  	[sflag:s0] =	ssyncadd.remote.s32 $0x1  }
0xd3: {  	_ =	sfence.sel $0xFFFF  }
0xd4: {  	[dreg:$0x0] =	wrdreg $0xFFFFFFFF;
	(pc) =	sbr.abs _section_cstart, $3  }
0xd5: {  	[dreg:$0x1] =	wrdreg $0xFFFFFFFF  }
0xd6: {  	_ =	task.clear_ibuf [dreg:s22], $0x2FFFF;
	_ =	strace $0x9FFFFFFF  }
0xd7: {  	(tm) =	ssettm $0x7FFFFFFF  }
tec
execute0_lowered:
.L_overlay_start_1:
0x0: {  	(tag) =	ssettag $0x1  }
0x1: {  	s1 =	stileid.u32  }
0x2: {  	p0 =	sgt.u32 s1, $0xD  }
.Ltmp0:
0x3: {  	_ = 	snop;
	(pc) =	sbr.rel @p0 .LBB2_4-.Ltmp0, $4  }
0x4: {  	s3 =	rddreg [dreg:$0x0]  }
0x5: {  	s5 =	rddreg [dreg:$0x1];
	s2 =	simm.s32 $0x0  }
0x6: {  	[smem:$0x7FF] =	sst s2  }
0x7: {  	s0 =	rddreg [dreg:$0x2];
	_ =	strace $0x8000004A  }
0x8: {  	s4 =	srdreg.scid  }
0x9: {  	s31 =	sshll.u32 s1, $0x1;
	s12 =	sand.u32 $0x1, s4  }
0xa: {  	s4 =	sor.u32 s12, s31  }
0xb: {  	s4 =	smul.u32 $0x38, s4;
	_ =	sdelay $0x1  }
0xc: {  	s4 =	sshrl.u32 s4, $0x3  }
0xd: {  	s6 =	smul.u32 $0x300, s4  }
0xe: {  	s3 =	sadd.s32 $0xC00, s3  }
0xf: {  	s4 =	sadd.s32 s3, s6;
	s3 =	simm.s32 $0x1  }
0x10: {  	[tilespmem:s2], [sflag:$0x1] =	stream.linear.gather [hbm4b:s4+s2], $0xA800, $0x38;
	[tilespmem:$0xA800] =	vst v63  }
0x11: {  	_ =	swait.ge [sflag:s3], $0xA800  }
0x12: {  	[sflag:s3] =	ssyncset.done $0x0  }
0x13: {  	s5 =	sadd.s32 s5, s6;
	[sflag:s3] =	ssyncadd.s32 $0xFFFF5800  }
0x14: {  	[hbm4b:s5+s2] =	stream.linear.scatter [tilespmem:s2], [sflag:$0x1], $0xA800, $0x38;
	[tilespmem:$0xA800] =	vst v63  }
0x15: {  	_ =	swait.ge [sflag:s3], $0xA800  }
0x16: {  	[sflag:s3] =	ssyncset.done $0x0  }
0x17: {  	s6 =	sadd.s32 $0x24C00, s5;
	[sflag:s3] =	ssyncadd.s32 $0xFFFF5800  }
0x18: {  	[hbm4b:s6+s2] =	stream.linear.scatter [tilespmem:s2], [sflag:$0x1], $0xA800, $0x38;
	[tilespmem:$0xA800] =	vst v63  }
0x19: {  	_ =	swait.ge [sflag:s3], $0xA800  }
0x1a: {  	[sflag:s3] =	ssyncset.done $0x0  }
0x1b: {  	s7 =	sadd.s32 $0x49800, s5;
	[sflag:s3] =	ssyncadd.s32 $0xFFFF5800  }
0x1c: {  	[hbm4b:s7+s2] =	stream.linear.scatter [tilespmem:s2], [sflag:$0x1], $0xA800, $0x38;
	[tilespmem:$0xA800] =	vst v63  }
0x1d: {  	_ =	swait.ge [sflag:s3], $0xA800  }
0x1e: {  	[sflag:s3] =	ssyncset.done $0x0  }
0x1f: {  	s8 =	sadd.s32 $0x6E400, s5;
	[sflag:s3] =	ssyncadd.s32 $0xFFFF5800  }
0x20: {  	[hbm4b:s8+s2] =	stream.linear.scatter [tilespmem:s2], [sflag:$0x1], $0xA800, $0x38;
	[tilespmem:$0xA800] =	vst v63  }
0x21: {  	_ =	swait.ge [sflag:s3], $0xA800  }
0x22: {  	[sflag:s3] =	ssyncset.done $0x0  }
0x23: {  	s9 =	sadd.s32 $0x93000, s5;
	[sflag:s3] =	ssyncadd.s32 $0xFFFF5800  }
0x24: {  	[hbm4b:s9+s2] =	stream.linear.scatter [tilespmem:s2], [sflag:$0x1], $0xA800, $0x38;
	[tilespmem:$0xA800] =	vst v63  }
0x25: {  	_ =	swait.ge [sflag:s3], $0xA800  }
0x26: {  	[sflag:s3] =	ssyncset.done $0x0  }
0x27: {  	s12 =	ssub.s32 $0x2, s12;
	s10 =	sadd.s32 $0xB7C00, s5;
	[sflag:s3] =	ssyncadd.s32 $0xFFFF5800  }
0x28: {  	[hbm4b:s10+s2] =	stream.linear.scatter [tilespmem:s2], [sflag:$0x1], $0xA800, $0x38;
	[tilespmem:$0xA800] =	vst v63  }
0x29: {  	s13 =	sshrl.u32 s12, $0x1;
	_ =	swait.ge [sflag:s3], $0xA800  }
0x2a: {  	s13 =	ssub.s32 s12, s13;
	[sflag:s3] =	ssyncset.done $0x0  }
0x2b: {  	s13 =	smax.u32 s13, $0x1;
	s11 =	sadd.s32 $0xDC800, s5;
	[sflag:s3] =	ssyncadd.s32 $0xFFFF5800  }
0x2c: {  	[hbm4b:s11+s2] =	stream.linear.scatter [tilespmem:s2], [sflag:$0x1], $0xA800, $0x38;
	[tilespmem:$0xA800] =	vst v63  }
0x2d: {  	p0 =	sne.s32 s13, $0x1;
	_ =	swait.ge [sflag:s3], $0xA800  }
.Ltmp1:
0x2e: {  	[sflag:s3] =	ssyncset.done $0x0;
	(pc) =	sbr.rel @!p0 .LBB2_3-.Ltmp1, $4  }
0x2f: {  	s12 =	sadd.s32 $0x101400, s5;
	[sflag:s3] =	ssyncadd.s32 $0xFFFF5800  }
0x30: {  	[hbm4b:s12+s2] =	stream.linear.scatter [tilespmem:s2], [sflag:$0x1], $0xA800, $0x38;
	[tilespmem:$0xA800] =	vst v63  }
0x31: {  	_ =	swait.ge [sflag:s3], $0xA800  }
0x32: {  	s13 =	sadd.s32 $0xFFFFFFFF, s13;
	[sflag:s3] =	ssyncset.done $0x0  }
.LBB2_2:
0x33: {  	p0 =	sne.s32 s13, $0x1;
	s13 =	sadd.s32 $0xFFFFFFFF, s13;
	[sflag:s3] =	ssyncadd.s32 $0xFFFF5800  }
0x34: {  	[tilespmem:s2], [sflag:$0x1] =	stream.linear.gather [hbm4b:s4+s2], $0xA800, $0x38;
	[tilespmem:$0xA800] =	vst v63  }
0x35: {  	_ =	swait.ge [sflag:s3], $0xA800  }
0x36: {  	[sflag:s3] =	ssyncset.done $0x0  }
0x37: {  	[sflag:s3] =	ssyncadd.s32 $0xFFFF5800  }
0x38: {  	[hbm4b:s5+s2] =	stream.linear.scatter [tilespmem:s2], [sflag:$0x1], $0xA800, $0x38;
	[tilespmem:$0xA800] =	vst v63  }
0x39: {  	_ =	swait.ge [sflag:s3], $0xA800  }
0x3a: {  	[sflag:s3] =	ssyncset.done $0x0  }
0x3b: {  	[sflag:s3] =	ssyncadd.s32 $0xFFFF5800  }
0x3c: {  	[hbm4b:s6+s2] =	stream.linear.scatter [tilespmem:s2], [sflag:$0x1], $0xA800, $0x38;
	[tilespmem:$0xA800] =	vst v63  }
0x3d: {  	_ =	swait.ge [sflag:s3], $0xA800  }
0x3e: {  	[sflag:s3] =	ssyncset.done $0x0  }
0x3f: {  	[sflag:s3] =	ssyncadd.s32 $0xFFFF5800  }
0x40: {  	[hbm4b:s7+s2] =	stream.linear.scatter [tilespmem:s2], [sflag:$0x1], $0xA800, $0x38;
	[tilespmem:$0xA800] =	vst v63  }
0x41: {  	_ =	swait.ge [sflag:s3], $0xA800  }
0x42: {  	[sflag:s3] =	ssyncset.done $0x0  }
0x43: {  	[sflag:s3] =	ssyncadd.s32 $0xFFFF5800  }
0x44: {  	[hbm4b:s8+s2] =	stream.linear.scatter [tilespmem:s2], [sflag:$0x1], $0xA800, $0x38;
	[tilespmem:$0xA800] =	vst v63  }
0x45: {  	_ =	swait.ge [sflag:s3], $0xA800  }
0x46: {  	[sflag:s3] =	ssyncset.done $0x0  }
0x47: {  	[sflag:s3] =	ssyncadd.s32 $0xFFFF5800  }
0x48: {  	[hbm4b:s9+s2] =	stream.linear.scatter [tilespmem:s2], [sflag:$0x1], $0xA800, $0x38;
	[tilespmem:$0xA800] =	vst v63  }
0x49: {  	_ =	swait.ge [sflag:s3], $0xA800  }
0x4a: {  	[sflag:s3] =	ssyncset.done $0x0  }
0x4b: {  	[sflag:s3] =	ssyncadd.s32 $0xFFFF5800  }
0x4c: {  	[hbm4b:s10+s2] =	stream.linear.scatter [tilespmem:s2], [sflag:$0x1], $0xA800, $0x38;
	[tilespmem:$0xA800] =	vst v63  }
0x4d: {  	_ =	swait.ge [sflag:s3], $0xA800  }
0x4e: {  	[sflag:s3] =	ssyncset.done $0x0  }
0x4f: {  	[sflag:s3] =	ssyncadd.s32 $0xFFFF5800  }
0x50: {  	[hbm4b:s11+s2] =	stream.linear.scatter [tilespmem:s2], [sflag:$0x1], $0xA800, $0x38;
	[tilespmem:$0xA800] =	vst v63  }
0x51: {  	_ =	swait.ge [sflag:s3], $0xA800  }
.Ltmp2:
0x52: {  	[sflag:s3] =	ssyncset.done $0x0;
	(pc) =	sbr.rel @p0 .LBB2_2-.Ltmp2, $4  }
0x53: {  	[sflag:s3] =	ssyncadd.s32 $0xFFFF5800  }
0x54: {  	[hbm4b:s12+s2] =	stream.linear.scatter [tilespmem:s2], [sflag:$0x1], $0xA800, $0x38;
	[tilespmem:$0xA800] =	vst v63  }
0x55: {  	_ =	swait.ge [sflag:s3], $0xA800  }
0x56: {  	[sflag:s3] =	ssyncset.done $0x0  }
.LBB2_3:
0x57: {  	[sflag:s3] =	ssyncadd.s32 $0xFFFF5800  }
.LBB2_4:
0x58: {  	_ =	sfence.sel $0x180000  }
0x59: {  	[bflag:$0x0] =	sbarrier.arrive $0xFFFF  }
0x5a: {  	p0 =	sne.s32 s1, $0x0;
	_ =	strace $0x9000004A  }
0x5b: {  	s0 =	sadd.s32 @!p0 $0x100000, s0;
	[bflag:$0x2] =	sbarrier.arrive $0xFFFF  }
0x5c: {  	[sflag:s0] =	ssyncadd.tile.s32 @!p0 $0x1;
	_ =	shalt  }
.Lfunc_end2:
_tile_overlayer_lowered:
.L_overlay_start_2:
0x5d: {  	(tag) =	ssettag $0x2  }
0x5e: {  	s0 =	rddreg [dreg:$0x0];
	s2 =	stileid.u32  }
0x5f: {  	s1 =	rddreg [dreg:$0x1];
	p0 =	sne.s32 s2, $0x0  }
0x60: {  	s3 =	rddreg [dreg:$0x2];
	[bflag:$0x3] =	sbarrier.arrive $0xFFFF;
	s2 =	simm.s32 @!p0 $0x1C01  }
0x61: {  	[timem:s3], [sflag:s2] =	dma.local @!p0 [hbm:s0], s1  }
0x62: {  	s0 =	simm.s32 @!p0 $0x1  }
0x63: {  	_ =	swait.ge @!p0 [sflag:s0], s1  }
0x64: {  	s1 =	ssub.s32 @!p0 $0x0, s1;
	[sflag:s0] =	ssyncset.done @!p0 $0x0  }
0x65: {  	[sflag:s0] =	ssyncadd.s32 @!p0 s1  }
0x66: {  	[bflag:$0x3] =	sbarrier.arrive $0xFFFF  }
0x67: {  	_ =	shalt  }

// kernel: sparse-core-data-format-call.cloned.1.call-start
scs
called_computation_lowered:
.L_overlay_start_0:
0x0: {  	s2 =	sld [smem:$0x3FD9]  }
0x1: {  	s3 =	sld [smem:$0x3FFE];
	_ =	sdelay $0x1  }
0x2: {  	s1 =	srdreg.scid  }
0x3: {  	s0 =	sand.u32 $0x1, s1  }
0x4: {  	s15 =	sshll.u32 s0, $0xA;
	s2 =	sadd.s32 s3, s2  }
0x5: {  	s2 =	sadd.s32 s2, s15  }
0x6: {  	[smem:$0x3FC7] =	sst s2  }
0x7: {  	_ = 	snop  }
0x8: {  	s2 =	sld [smem:$0x3FD0];
	_ =	sdelay $0x2  }
0x9: {  	s16 =	simm.s32 $0xB;
	s4 =	simm.s32 $0x10  }
0xa: {  	[smem:s4], [sflag:s16] =	dma.local [hbm:s2], $0x1  }
0xb: {  	_ =	swait.eq [sflag:s16], $0x1  }
0xc: {  	[sflag:s16] =	ssyncset.done $0x0  }
0xd: {  	[sflag:s16] =	ssyncadd.s32 $0xFFFFFFFF  }
0xe: {  	s17 =	sld [smem:$0x10];
	(tm) =	ssettm $0x1  }
0xf: {  	s18 =	sld [smem:$0x3FFB];
	_ =	sdelay $0x3  }
0x10: {  	_ =	strace s18  }
0x11: {  	s3 =	sld [smem:$0x3FFC];
	_ =	sdelay $0x3  }
0x12: {  	_ =	strace s3  }
0x13: {  	s3 =	sld [smem:$0x3FFD];
	_ =	sdelay $0x3  }
0x14: {  	_ =	strace s3  }
0x15: {  	_ =	strace $0x8FFFFFFF  }
0x16: {  	s19 =	sld [smem:$0x3FDB];
	_ =	sdelay $0x1  }
0x17: {  	s20 =	simm.s32 $_scs_section_size  }
0x18: {  	s5 =	simm.s32 $_size__tile_overlayer_lowered;
	s6 =	simm.s32 $_tile_overlayer_lowered  }
0x19: {  	s23 =	simm.s32 $0x1BFF;
	s22 =	sshll.u32 s6, $0x1;
	s3 =	sadd.s32 s20, s19  }
0x1a: {  	s7 =	simm.s32 $0x0;
	s21 =	sshll.u32 s5, $0x1;
	s5 =	sadd.s32 s22, s3  }
0x1b: {  	[timem:s7], [sflag:s23] =	dma.local [hbm:s5], s21  }
0x1c: {  	_ =	swait.ge [sflag:s23], s21  }
0x1d: {  	s4 =	ssub.s32 $0x0, s21;
	[sflag:s23] =	ssyncset.done $0x0  }
0x1e: {  	[sflag:s23] =	ssyncadd.s32 s4;
	_ =	sdelay $0x1  }
0x1f: {  	s24 =	simm.s32 $0x1B8B  }
0x20: {  	_ =	swait.ge [sflag:s24], $0x1  }
0x21: {  	[sflag:s24] =	ssyncset.done $0x0  }
0x22: {  	s26 =	simm.s32 $0x1B8E;
	s25 =	sld [smem:$0x3FFE];
	[sflag:s24] =	ssyncadd.s32 $0xFFFFFFFF  }
0x23: {  	s27 =	simm.s32 $execute0_lowered;
	[smem:$0x3FD2] =	sst s26  }
0x24: {  	s5 =	sshll.u32 s27, $0x1;
	_ =	strace $0x80000046;
	[dreg:$0x1] =	wrdreg $0xFFFFFFFF  }
0x25: {  	s28 =	simm.s32 $_size_execute0_lowered;
	s3 =	sadd.s32 s3, s5;
	[dreg:$0x0] =	wrdreg $0x0  }
0x26: {  	s5 =	sshll.u32 s28, $0x1;
	[dreg:$0x2] =	wrdreg s3  }
0x27: {  	[dreg:$0x3] =	wrdreg s5  }
0x28: {  	[dreg:$0x4] =	wrdreg $0xC0  }
0x29: {  	_ =	task [dreg:s7], $0x5FFFF  }
0x2a: {  	[dreg:$0x1] =	wrdreg $0xFFFFFFFF  }
0x2b: {  	[dreg:$0x0] =	wrdreg $0x60  }
0x2c: {  	[dreg:$0x2] =	wrdreg s25  }
0x2d: {  	[dreg:$0x3] =	wrdreg s17  }
0x2e: {  	[dreg:$0x4] =	wrdreg $0x9  }
0x2f: {  	_ =	task.clear_ibuf [dreg:s7], $0x5FFFF;
	_ =	strace $0x90000046  }
0x30: {  	s29 =	simm.s32 $0x9;
	_ =	strace $0x80000048  }
0x31: {  	_ =	swait.ge [sflag:s29], $0x1  }
0x32: {  	[sflag:s29] =	ssyncadd.s32 $0xFFFFFFFF  }
0x33: {  	_ =	strace $0x90000048  }
0x34: {  	_ =	sfence  }
0x35: {  	s30 =	sld [smem:$0x0];
	_ =	sdelay $0x2  }
0x36: {  	s31 =	sshll.u32 s1, $0xD;
	s1 =	sshrl.u32 s1, $0x2  }
0x37: {  	s3 =	sand.u32 $0x4000, s31;
	s1 =	sadd.s32 s1, s30  }
0x38: {  	s0 =	sor.u32 s3, s0;
	s1 =	sshll.u32 s1, $0x11  }
0x39: {  	s0 =	sor.u32 s1, s0  }
0x3a: {  	s0 =	sadd.s32 $0x8F2B, s0  }
0x3b: {  	[sflag:s0] =	ssyncadd.remote.s32 $0x1  }
0x3c: {  	_ =	sfence.sel $0xFFFF  }
0x3d: {  	[dreg:$0x0] =	wrdreg $0xFFFFFFFF;
	(pc) =	sbr.abs _section_cstart, $3  }
0x3e: {  	[dreg:$0x1] =	wrdreg $0xFFFFFFFF  }
0x3f: {  	_ =	task.clear_ibuf [dreg:s7], $0x2FFFF;
	_ =	strace $0x9FFFFFFF  }
0x40: {  	(tm) =	ssettm $0x7FFFFFFF  }
0x41: {  	_ =	shalt  }
tec
execute0_lowered:
.L_overlay_start_1:
0x0: {  	(tag) =	ssettag $0x1  }
0x1: {  	s4 =	rddreg [dreg:$0x0]  }
0x2: {  	s2 =	rddreg [dreg:$0x1]  }
0x3: {  	s0 =	rddreg [dreg:$0x2]  }
0x4: {  	s1 =	stileid.u32;
	s5 =	srdreg.scid;
	_ =	strace $0x80000047  }
0x5: {  	s31 =	simm.s32 $0x2;
	s13 =	simm.s32 $0x0;
	p0 =	por $0x0, $0x0  }
0x6: {  	s15 =	simm.s32 $0x0;
	s14 =	simm.s32 $0x0;
	s16 =	simm.s32 $0x0  }
0x7: {  	s10 =	simm.s32 $0x0;
	s3 =	sand.u32 $0x1, s1;
	s5 =	sshll.u32 s5, $0x4  }
0x8: {  	s11 =	simm.s32 $0x0;
	s5 =	sand.u32 $0x10, s5;
	s7 =	ssub.s32 $0x2, s3  }
0x9: {  	s6 =	sshll.u32 s3, $0x8;
	s5 =	sor.u32 s1, s5;
	s8 =	sshrl.u32 s7, $0x1  }
.Ltmp0:
0xa: {  	s7 =	sand.u32 $0x1, s7;
	s9 =	sadd.s32 s6, s4;
	(pc) =	sbr.rel .LBB1_1-.Ltmp0, $4  }
0xb: {  	s4 =	sshrl.u32 s5, $0x1;
	s29 =	sadd.s32 s7, s8;
	s5 =	simm.s32 $0x1  }
0xc: {  	s6 =	smul.u32 $0x126, s29;
	s30 =	sshll.u32 s4, $0x4;
	[sflag:s5] =	ssyncpa.u1 $0x0  }
0xd: {  	s12 =	simm.s32 $0x0;
	s7 =	sadd.s32 s30, s9;
	[sflag:s31] =	ssyncpa.u1 $0x0  }
0xe: {  	s9 =	simm.s32 $0x18800;
	s7 =	sadd.s32 $0x2A0C00, s7;
	s8 =	sor.u32 $0x1, s6  }
.LBB1_4:
0xf: {  	s19 =	sshll.u32 s16, $0x3  }
0x10: {  	s29 =	sand.u32 $0x7F, s16;
	s19 =	sand.u32 $0xFFFFFC00, s19  }
0x11: {  	s14 =	smul.u32 $0xC4000, s14;
	s16 =	sor.u32 s29, s19  }
0x12: {  	s20 =	smulhi.u32 $0x5397829D, s16  }
0x13: {  	s19 =	smulhi.u32 $0x5397829D, s19  }
0x14: {  	s15 =	smul.u32 $0x62000, s15;
	s20 =	sshrl.u32 s20, $0xC  }
0x15: {  	s19 =	sshrl.u32 s19, $0xC;
	s20 =	smul.u32 $0x3100, s20  }
0x16: {  	s13 =	smul.u32 $0x6200, s13;
	s14 =	sadd.s32 s2, s14;
	s19 =	sand.u32 $0xF, s19  }
0x17: {  	s14 =	sadd.s32 s15, s14;
	s19 =	smul.u32 $0x620, s19;
	s16 =	ssub.s32 s16, s20  }
0x18: {  	s13 =	sadd.s32 s13, s14;
	s30 =	sand.u32 $0x7, s16  }
0x19: {  	s13 =	sadd.s32 s19, s13;
	s31 =	sshrl.u32 s16, $0x3;
	s14 =	sshll.u32 s30, $0x12  }
0x1a: {  	[tilespmem:s18+$0x0 ss:$0x81] =	vst.msk $0xffff, v0;
	s13 =	sadd.s32 s31, s13;
	s14 =	sor.u32 $0x400, s14  }
0x1b: {  	[hbm4b:s13+s14] =	stream.strided.scatter [tilespmem:s17], [sflag:$0x2], $0x800, s9, s14, $0x20;
	[tilespmem:$0x2020] =	vst v63  }
.LBB1_5:
0x1c: {  	s17 =	sadd.s32 $0x1, s10  }
0x1d: {  	s14 =	sadd.s32 $0x80, s11;
	s18 =	smov.u32 s11;
	p2 =	sgt.s32 s17, $0x2  }
0x1e: {  	s18 =	smov.u32 @p2 s14  }
0x1f: {  	s17 =	simm.s32 @p2 $0x0;
	p2 =	sgt.s32 s18, $0x30FF  }
0x20: {  	p1 =	slt.u32 s12, $0x2;
	s18 =	simm.s32 @p2 $0x0;
	p2 =	sne.s32 s12, s8  }
.Ltmp1:
0x21: {  	s13 =	simm.s32 @!p1 $0x2;
	(pc) =	sbr.rel @!p2 .LBB1_6-.Ltmp1, $4  }
0x22: {  	s19 =	sadd.s32 $0x1, s12;
	s16 =	smov.u32 s11;
	_ =	swait.ge @!p1 [sflag:s13], $0x800  }
0x23: {  	p0 =	por !p0, !p0;
	s15 =	smov.u32 s3;
	[sflag:s13] =	ssyncset.done @!p1 $0x0  }
0x24: {  	s14 =	smov.u32 s10;
	s10 =	smov.u32 s17;
	[sflag:s13] =	ssyncadd.s32 @!p1 $0xFFFFF800  }
0x25: {  	s13 =	smov.u32 s4;
	s12 =	smov.u32 s19;
	s11 =	smov.u32 s18  }
.LBB1_1:
0x26: {  	p1 =	sge.u32 s12, s6  }
0x27: {  	s18 =	smul.u32 @!p1 $0x600, s11  }
0x28: {  	s31 =	sadd.s32 $0xFFFFFFFF, s12;
	s17 =	sxor.u32 @!p1 $0xFFFFFFFF, s12;
	s19 =	sshll.u32 @!p1 s10, $0x9  }
0x29: {  	s20 =	simm.s32 @!p1 $0x3000;
	s17 =	sshll.u32 @!p1 s17, $0xB;
	s18 =	sadd.s32 @!p1 s18, s7  }
0x2a: {  	s17 =	sand.u32 @!p1 $0x800, s17;
	s18 =	sadd.s32 @!p1 s19, s18;
	s19 =	simm.s32 @!p1 $0x10  }
0x2b: {  	[tilespmem:s17], [sflag:$0x1] =	stream.strided.gather @!p1 [hbm4b:s18+s19], $0x800, s20, s19, $0x38;
	[tilespmem:$0x2020] =	vst v63  }
0x2c: {  	p1 =	sge.u32 s31, s6  }
.Ltmp2:
0x2d: {  	_ = 	snop;
	(pc) =	sbr.rel @p1 .LBB1_5-.Ltmp2, $1  }
0x2e: {  	_ =	sdelay $0x3  }
0x2f: {  	s17 =	simm.s32 $0x1  }
0x30: {  	s17 =	simm.s32 @!p0 $0x0  }
0x31: {  	s18 =	sshll.u32 s17, $0xB  }
0x32: {  	v1 =	vmov s18;
	_ =	sdelay $0x1  }
0x33: {  	_ =	swait.ge [sflag:s5], $0x800  }
0x34: {  	s31 =	sand.u32 $0x1, s12;
	[sflag:s5] =	ssyncset.done $0x0  }
0x35: {  	s20 =	simm.s32 $0x0;
	s17 =	smul.u32 $0x2040, s17;
	[sflag:s5] =	ssyncadd.s32 $0xFFFFF800  }
0x36: {  	s18 =	smul.u32 $0x2040, s31;
	v0 =	vld.idx.msk [tilespmem:v1+s20+$0x0 ss:$0x1], $0xffff;
	_ =	sdelay $0x1  }
0x37: {  	s17 =	sshrl.u32 s17, $0x2;
	s19 =	sshrl.u32 s18, $0x2  }
0x38: {  	s18 =	sor.u32 $0x1000, s17;
	s17 =	sor.u32 $0x1000, s19;
	s19 =	simm.s32 $0x40  }
.LBB1_3:
0x39: {  	s20 =	sshra.s32 s19, $0x2;
	p1 =	sne.s32 s19, $0x1FC0;
	s19 =	sadd.s32 $0x40, s19  }
.Ltmp3:
0x3a: {  	[tilespmem:s18+$0x0 ss:$0x81] =	vst.msk $0xffff, v0;
	v0 =	vld.idx.msk [tilespmem:v1+s20+$0x0 ss:$0x1], $0xffff;
	(pc) =	sbr.rel @p1 .LBB1_3-.Ltmp3, $2  }
0x3b: {  	_ =	sdelay $0x2  }
0x3c: {  	s18 =	sadd.s32 $0x1, s18  }
.Ltmp4:
0x3d: {  	_ = 	snop;
	(pc) =	sbr.rel .LBB1_4-.Ltmp4, $1  }
0x3e: {  	_ =	sdelay $0x3  }
.LBB1_6:
0x3f: {  	_ =	sfence.sel $0x180000  }
0x40: {  	s2 =	simm.s32 $0x1;
	[bflag:$0x0] =	sbarrier.arrive $0xFFFF  }
0x41: {  	s31 =	simm.s32 $0x2;
	[sflag:s2] =	ssyncpa.u1 $0x1  }
0x42: {  	[sflag:s31] =	ssyncpa.u1 $0x1  }
0x43: {  	p0 =	sne.s32 s1, $0x0;
	_ =	strace $0x90000047  }
0x44: {  	s0 =	sadd.s32 @!p0 $0x100000, s0;
	[bflag:$0x2] =	sbarrier.arrive $0xFFFF  }
0x45: {  	[sflag:s0] =	ssyncadd.tile.s32 @!p0 $0x1;
	_ =	shalt  }
.Lfunc_end1:
_tile_overlayer_lowered:
.L_overlay_start_2:
0x46: {  	(tag) =	ssettag $0x2  }
0x47: {  	s0 =	rddreg [dreg:$0x0];
	s2 =	stileid.u32  }
0x48: {  	s1 =	rddreg [dreg:$0x1];
	p0 =	sne.s32 s2, $0x0  }
0x49: {  	s3 =	rddreg [dreg:$0x2];
	[bflag:$0x3] =	sbarrier.arrive $0xFFFF;
	s2 =	simm.s32 @!p0 $0x1C01  }
0x4a: {  	[timem:s3], [sflag:s2] =	dma.local @!p0 [hbm:s0], s1  }
0x4b: {  	s0 =	simm.s32 @!p0 $0x1  }
0x4c: {  	_ =	swait.ge @!p0 [sflag:s0], s1  }
0x4d: {  	s1 =	ssub.s32 @!p0 $0x0, s1;
	[sflag:s0] =	ssyncset.done @!p0 $0x0  }
0x4e: {  	[sflag:s0] =	ssyncadd.s32 @!p0 s1  }
0x4f: {  	[bflag:$0x3] =	sbarrier.arrive $0xFFFF  }
0x50: {  	_ =	shalt  }

</sc_bundles>
